<compile_context>
chip_gen: v7x
topology: tpu7x:2x2x1
jax: 0.10.2.dev20260603
libtpu: 0.0.44.dev20260713+nightly
codegen_flags: <defaults>
</compile_context>

<pallas_src>
import functools

import jax
import jax.numpy as jnp
from jax import lax
from jax.experimental import pallas as pl
from jax.experimental.pallas import tpu as pltpu
from jax.experimental.pallas import tpu_sc as plsc

_B, _T, _C = 1024, 200, 256
_NC, _NS = 2, 16
_NW = _NC * _NS
_BPW = _B // _NW
_RB = 4096

_mesh = plsc.VectorSubcoreMesh(core_axis_name="c", subcore_axis_name="s")


_RPW = _B * _T // _NW


@functools.partial(
    pl.kernel,
    out_type=jax.ShapeDtypeStruct((_B * _T,), jnp.int32),
    mesh=_mesh,
    compiler_params=pltpu.CompilerParams(needs_layout_passes=False),
    scratch_types=(
        pltpu.VMEM((_RPW + 16,), jnp.int32),
        pltpu.VMEM((_RPW,), jnp.int32),
    ),
)
def _sc_ids(x_hbm, ids_hbm, xbuf, idbuf):
    wid = lax.axis_index("s") * _NC + lax.axis_index("c")
    pltpu.sync_copy(x_hbm.at[pl.ds(wid * _RPW, _RPW)], xbuf.at[pl.ds(0, _RPW)])
    iota = lax.iota(jnp.int32, 16)

    def _body(g, carry):
        idbuf[pl.ds(g * 16, 16)] = xbuf[pl.ds(g * 16 + 1, 16)]
        return carry

    lax.fori_loop(0, _RPW // 16, _body, jnp.int32(0))

    for g in range(_BPW // 16):
        pos = (g * 16 + iota) * _T + (_T - 1)
        v = plsc.load_gather(xbuf, [pos]) + 1
        v = jnp.where(v > _C - 1, 0, v)
        plsc.store_scatter(idbuf, [pos], v)

    pltpu.sync_copy(idbuf, ids_hbm.at[pl.ds(wid * _RPW, _RPW)])


def _tc_expand(ids_ref, o_ref):
    idst = jnp.transpose(ids_ref[...])
    iot = lax.broadcasted_iota(jnp.int32, (128, _C), 1)
    for j in range(_RB // 128):
        col = idst[:, j:j + 1]
        o_ref[j * 128:(j + 1) * 128, :] = jnp.where(
            iot == col, 1.0, 0.0).astype(jnp.float32)


_expand = pl.pallas_call(
    _tc_expand,
    out_shape=jax.ShapeDtypeStruct((_B * _T, _C), jnp.float32),
    grid=(_B * _T // _RB,),
    in_specs=[pl.BlockSpec((_RB // 128, 128), lambda i: (i, 0))],
    out_specs=pl.BlockSpec((_RB, _C), lambda i: (i, 0)),
)


def kernel(inputs):
    x = inputs.astype(jnp.int32).reshape(_B * _T)
    ids = _sc_ids(x)
    out = _expand(ids.reshape(_B * _T // 128, 128))
    return out.reshape(_B, _T, _C)

# --- scband reference (transcript-rebuilt; emitter-appended) ---
"""Pipeline reference for scband-model-mock-42631845380751 (READ-ONLY COPY).

The authoritative reference and input builder live on the scoring server;
editing this copy changes nothing except your own understanding.
"""

import jax, jax.numpy as jnp
import numpy as np

def setup_inputs(seed: int = 0) -> dict:
    key = jax.random.key(seed)
    inputs = jax.random.randint(key, (1024, 200), 0, 256, dtype=jnp.int64)
    return {"inputs": inputs}

def reference(inputs) -> jnp.ndarray:
    # Faithful translation of ModelMock.forward:
    # per batch element: flatten, shift left by one appending (last+1),
    # zero out values > 255, one-hot to 256 classes (float32), stack over batch.
    B = inputs.shape[0]
    flat = inputs.reshape(B, -1)  # view(numel()) per row
    shifted = jnp.concatenate([flat[:, 1:], flat[:, -1:] + 1], axis=-1)
    shifted = jnp.where(shifted > 255, 0, shifted)
    out = jax.nn.one_hot(shifted, 256, dtype=jnp.float32)
    return out

if __name__ == "__main__":
    import jax
    _d = setup_inputs()
    print(jax.jit(kernel)(*tuple(_d.values())))

</pallas_src>

<mosaic_0001>
#map = affine_map<(d0, d1) -> (0)>
module attributes {stable_mosaic.version = 14 : i64} {
  func.func @_sc_ids(%arg0: i32, %arg1: i32, %arg2: memref<204800xi32, #tpu.memory_space<hbm>>, %arg3: memref<204800xi32, #tpu.memory_space<hbm>>, %arg4: memref<6416xi32, #tpu.memory_space<vmem>>, %arg5: memref<6400xi32, #tpu.memory_space<vmem>>) attributes {dimension_semantics = [#tpu.dimension_semantics<core_parallel>, #tpu.dimension_semantics<subcore_parallel>], iteration_bounds = array<i64: 2, 16>, scalar_prefetch = 0 : i64, scratch_operands = 2 : i64, tpu.core_type = #tpu.core_type<sc_vector_subcore>, window_params = [{transform_indices = #map}, {transform_indices = #map}]} {
    %mul3A = arith.constant 2 : i32
    %mul3A_0 = arith.muli %arg1, %mul3A : i32
    %add3A = arith.addi %mul3A_0, %arg0 : i32
    %mul3A_1 = arith.constant 6400 : i32
    %mul3A_2 = arith.muli %add3A, %mul3A_1 : i32
    "tpu.region"() ({
      %run_scoped3A = tpu.sem_alloc : memref<!tpu.dma_semaphore, #tpu.memory_space<semaphore_mem>>
      %dma_start3A = arith.constant 0 : i32
      %dma_start3A_43 = tpu.memref_slice %arg4[%dma_start3A] : memref<6416xi32, #tpu.memory_space<vmem>> -> memref<6400xi32, #tpu.memory_space<vmem>>
      %dma_start3A_44 = tpu.memref_slice %arg2[%mul3A_2] : memref<204800xi32, #tpu.memory_space<hbm>> -> memref<6400xi32, #tpu.memory_space<hbm>>
      %dma_start3A_45 = arith.constant 0 : i32
      %dma_start3A_46 = tpu.memref_slice %arg4[%dma_start3A_45] : memref<6416xi32, #tpu.memory_space<vmem>> -> memref<6400xi32, #tpu.memory_space<vmem>>
      %dma_start3A_47 = tpu.memref_slice %arg2[%mul3A_2] : memref<204800xi32, #tpu.memory_space<hbm>> -> memref<6400xi32, #tpu.memory_space<hbm>>
      tpu.enqueue_dma source(%dma_start3A_47 : memref<6400xi32, #tpu.memory_space<hbm>>) target(%dma_start3A_46 : memref<6400xi32, #tpu.memory_space<vmem>>) target_semaphore(%run_scoped3A : memref<!tpu.dma_semaphore, #tpu.memory_space<semaphore_mem>>)
      %dma_wait3A = arith.constant 0 : i32
      %dma_wait3A_48 = tpu.memref_slice %arg4[%dma_wait3A] : memref<6416xi32, #tpu.memory_space<vmem>> -> memref<6400xi32, #tpu.memory_space<vmem>>
      %dma_wait3A_49 = tpu.memref_slice %arg2[%mul3A_2] : memref<204800xi32, #tpu.memory_space<hbm>> -> memref<6400xi32, #tpu.memory_space<hbm>>
      %dma_wait3A_50 = arith.constant 0 : i32
      %dma_wait3A_51 = tpu.memref_slice %arg4[%dma_wait3A_50] : memref<6416xi32, #tpu.memory_space<vmem>> -> memref<6400xi32, #tpu.memory_space<vmem>>
      %dma_wait3A_52 = tpu.memref_slice %arg2[%mul3A_2] : memref<204800xi32, #tpu.memory_space<hbm>> -> memref<6400xi32, #tpu.memory_space<hbm>>
      tpu.wait_dma2 semaphore(%run_scoped3A : memref<!tpu.dma_semaphore, #tpu.memory_space<semaphore_mem>>) src(%dma_wait3A_52 : memref<6400xi32, #tpu.memory_space<hbm>>) dst(%dma_wait3A_51 : memref<6400xi32, #tpu.memory_space<vmem>>)
      tpu.yield
    }) : () -> ()
    %iota3A = tpu.iota {dimensions = array<i32: 0>} : vector<16xi32>
    %scan3A = arith.constant 0 : i32
    %scan3A_3 = arith.constant 0 : i32
    %scan3A_4 = arith.constant 400 : i32
    %scan3A_5 = arith.addi %scan3A_3, %scan3A_4 : i32
    %scan3A_6 = arith.constant 1 : i32
    scf.for %scan3A_43 = %scan3A_3 to %scan3A_5 step %scan3A_6  : i32 {
      %mul3A_44 = arith.constant 16 : i32
      %mul3A_45 = arith.muli %scan3A_43, %mul3A_44 : i32
      %add3A_46 = arith.constant 1 : i32
      %add3A_47 = arith.addi %mul3A_45, %add3A_46 : i32
      %get3A = arith.index_cast %add3A_47 : i32 to index
      %get3A_48 = tpu.vector_load %arg4[%get3A] {strides = array<i32>} : memref<6416xi32, #tpu.memory_space<vmem>>, vector<16xi32>,
      %mul3A_49 = arith.constant 16 : i32
      %mul3A_50 = arith.muli %scan3A_43, %mul3A_49 : i32
      %swap3A = arith.index_cast %mul3A_50 : i32 to index
      %swap3A_51 = tpu.vector_load %arg5[%swap3A] {strides = array<i32>} : memref<6400xi32, #tpu.memory_space<vmem>>, vector<16xi32>,
      tpu.vector_store %arg5[%swap3A], %get3A_48 {strides = array<i32>} : memref<6400xi32, #tpu.memory_space<vmem>>, vector<16xi32>,
    }
    %scan3A_7 = arith.constant 400 : i32
    %add3A_8 = arith.constant 0 : i32
    %add3A_9 = vector.broadcast %add3A_8 : i32 to vector<16xi32>
    %add3A_10 = arith.addi %add3A_9, %iota3A : vector<16xi32>
    %mul3A_11 = arith.constant 200 : i32
    %mul3A_12 = vector.broadcast %mul3A_11 : i32 to vector<16xi32>
    %mul3A_13 = arith.muli %add3A_10, %mul3A_12 : vector<16xi32>
    %add3A_14 = arith.constant 199 : i32
    %add3A_15 = vector.broadcast %add3A_14 : i32 to vector<16xi32>
    %add3A_16 = arith.addi %mul3A_13, %add3A_15 : vector<16xi32>
    %gather3A = tpu.vector_load_idx %arg4[%add3A_16] : memref<6416xi32, #tpu.memory_space<vmem>>[vector<16xi32>], vector<16xi32>,
    %add3A_17 = arith.constant 1 : i32
    %add3A_18 = vector.broadcast %add3A_17 : i32 to vector<16xi32>
    %add3A_19 = arith.addi %gather3A, %add3A_18 : vector<16xi32>
    %gt3A = arith.constant 255 : i32
    %gt3A_20 = vector.broadcast %gt3A : i32 to vector<16xi32>
    %gt3A_21 = arith.cmpi sgt, %add3A_19, %gt3A_20 : vector<16xi32>
    %jit3A = arith.constant 0 : i32
    %broadcast_in_dim3A = vector.broadcast %jit3A : i32 to vector<16xi32>
    %select_n3A = arith.select %gt3A_21, %broadcast_in_dim3A, %add3A_19 : vector<16xi1>, vector<16xi32>
    tpu.vector_store_idx %arg5[%add3A_16], %select_n3A : memref<6400xi32, #tpu.memory_space<vmem>>[vector<16xi32>], vector<16xi32>,
    %add3A_22 = arith.constant 16 : i32
    %add3A_23 = vector.broadcast %add3A_22 : i32 to vector<16xi32>
    %add3A_24 = arith.addi %add3A_23, %iota3A : vector<16xi32>
    %mul3A_25 = arith.constant 200 : i32
    %mul3A_26 = vector.broadcast %mul3A_25 : i32 to vector<16xi32>
    %mul3A_27 = arith.muli %add3A_24, %mul3A_26 : vector<16xi32>
    %add3A_28 = arith.constant 199 : i32
    %add3A_29 = vector.broadcast %add3A_28 : i32 to vector<16xi32>
    %add3A_30 = arith.addi %mul3A_27, %add3A_29 : vector<16xi32>
    %gather3A_31 = tpu.vector_load_idx %arg4[%add3A_30] : memref<6416xi32, #tpu.memory_space<vmem>>[vector<16xi32>], vector<16xi32>,
    %add3A_32 = arith.constant 1 : i32
    %add3A_33 = vector.broadcast %add3A_32 : i32 to vector<16xi32>
    %add3A_34 = arith.addi %gather3A_31, %add3A_33 : vector<16xi32>
    %gt3A_35 = arith.constant 255 : i32
    %gt3A_36 = vector.broadcast %gt3A_35 : i32 to vector<16xi32>
    %gt3A_37 = arith.cmpi sgt, %add3A_34, %gt3A_36 : vector<16xi32>
    %jit3A_38 = arith.constant 0 : i32
    %broadcast_in_dim3A_39 = vector.broadcast %jit3A_38 : i32 to vector<16xi32>
    %select_n3A_40 = arith.select %gt3A_37, %broadcast_in_dim3A_39, %add3A_34 : vector<16xi1>, vector<16xi32>
    tpu.vector_store_idx %arg5[%add3A_30], %select_n3A_40 : memref<6400xi32, #tpu.memory_space<vmem>>[vector<16xi32>], vector<16xi32>,
    %mul3A_41 = arith.constant 6400 : i32
    %mul3A_42 = arith.muli %add3A, %mul3A_41 : i32
    "tpu.region"() ({
      %run_scoped3A = tpu.sem_alloc : memref<!tpu.dma_semaphore, #tpu.memory_space<semaphore_mem>>
      %dma_start3A = tpu.memref_slice %arg3[%mul3A_42] : memref<204800xi32, #tpu.memory_space<hbm>> -> memref<6400xi32, #tpu.memory_space<hbm>>
      %dma_start3A_43 = tpu.memref_slice %arg3[%mul3A_42] : memref<204800xi32, #tpu.memory_space<hbm>> -> memref<6400xi32, #tpu.memory_space<hbm>>
      tpu.enqueue_dma source(%arg5 : memref<6400xi32, #tpu.memory_space<vmem>>) target(%dma_start3A_43 : memref<6400xi32, #tpu.memory_space<hbm>>) target_semaphore(%run_scoped3A : memref<!tpu.dma_semaphore, #tpu.memory_space<semaphore_mem>>)
      %dma_wait3A = tpu.memref_slice %arg3[%mul3A_42] : memref<204800xi32, #tpu.memory_space<hbm>> -> memref<6400xi32, #tpu.memory_space<hbm>>
      %dma_wait3A_44 = tpu.memref_slice %arg3[%mul3A_42] : memref<204800xi32, #tpu.memory_space<hbm>> -> memref<6400xi32, #tpu.memory_space<hbm>>
      tpu.wait_dma2 semaphore(%run_scoped3A : memref<!tpu.dma_semaphore, #tpu.memory_space<semaphore_mem>>) src(%arg5 : memref<6400xi32, #tpu.memory_space<vmem>>) dst(%dma_wait3A_44 : memref<6400xi32, #tpu.memory_space<hbm>>)
      tpu.yield
    }) : () -> ()
    return
  }
}

module attributes {stable_mosaic.version = 14 : i64} {
  func.func @_tc_expand(%arg0: i32, %arg1: memref<32x128xi32, #tpu.memory_space<vmem>>, %arg2: memref<4096x256xf32, #tpu.memory_space<vmem>>) attributes {dimension_semantics = [#tpu.dimension_semantics<arbitrary>], iteration_bounds = array<i64: 50>, scalar_prefetch = 0 : i64, scratch_operands = 0 : i64, tpu.core_type = #tpu.core_type<tc>, window_params = [{transform_indices = @transform_0, window_bounds = array<i64: 32, 128>}, {transform_indices = @transform_1, window_bounds = array<i64: 4096, 256>}]} {
    %get3A = arith.constant 0 : index
    %get3A_0 = arith.constant 0 : index
    %get3A_1 = vector.load %arg1[%get3A, %get3A_0] : memref<32x128xi32, #tpu.memory_space<vmem>>, vector<32x128xi32>
    %transpose3A = tpu.transpose %get3A_1, [1, 0] : vector<32x128xi32> -> vector<128x32xi32>
    %iota3A = tpu.iota {dimensions = array<i32: 1>} : vector<128x256xi32>
    %slice3A = vector.extract_strided_slice %transpose3A {offsets = [0, 0], sizes = [128, 1], strides = [1, 1]} : vector<128x32xi32> to vector<128x1xi32>
    %eq3A = vector.broadcast %slice3A : vector<128x1xi32> to vector<128x256xi32>
    %eq3A_2 = arith.cmpi eq, %iota3A, %eq3A : vector<128x256xi32>
    %jit3A = arith.constant 1.000000e+00 : f32
    %jit3A_3 = arith.constant 0.000000e+00 : f32
    %broadcast_in_dim3A = vector.broadcast %jit3A : f32 to vector<128x256xf32>
    %broadcast_in_dim3A_4 = vector.broadcast %jit3A_3 : f32 to vector<128x256xf32>
    %select_n3A = arith.select %eq3A_2, %broadcast_in_dim3A, %broadcast_in_dim3A_4 : vector<128x256xi1>, vector<128x256xf32>
    %swap3A = arith.constant 0 : index
    %swap3A_5 = arith.constant 0 : index
    %swap3A_6 = vector.load %arg2[%swap3A, %swap3A_5] : memref<4096x256xf32, #tpu.memory_space<vmem>>, vector<128x256xf32>
    tpu.vector_store %arg2[%swap3A, %swap3A_5], %select_n3A {strides = array<i32>} : memref<4096x256xf32, #tpu.memory_space<vmem>>, vector<128x256xf32>,
    %slice3A_7 = vector.extract_strided_slice %transpose3A {offsets = [0, 1], sizes = [128, 1], strides = [1, 1]} : vector<128x32xi32> to vector<128x1xi32>
    %eq3A_8 = vector.broadcast %slice3A_7 : vector<128x1xi32> to vector<128x256xi32>
    %eq3A_9 = arith.cmpi eq, %iota3A, %eq3A_8 : vector<128x256xi32>
    %jit3A_10 = arith.constant 1.000000e+00 : f32
    %jit3A_11 = arith.constant 0.000000e+00 : f32
    %broadcast_in_dim3A_12 = vector.broadcast %jit3A_10 : f32 to vector<128x256xf32>
    %broadcast_in_dim3A_13 = vector.broadcast %jit3A_11 : f32 to vector<128x256xf32>
    %select_n3A_14 = arith.select %eq3A_9, %broadcast_in_dim3A_12, %broadcast_in_dim3A_13 : vector<128x256xi1>, vector<128x256xf32>
    %swap3A_15 = arith.constant 128 : index
    %swap3A_16 = arith.constant 0 : index
    %swap3A_17 = vector.load %arg2[%swap3A_15, %swap3A_16] : memref<4096x256xf32, #tpu.memory_space<vmem>>, vector<128x256xf32>
    tpu.vector_store %arg2[%swap3A_15, %swap3A_16], %select_n3A_14 {strides = array<i32>} : memref<4096x256xf32, #tpu.memory_space<vmem>>, vector<128x256xf32>,
    %slice3A_18 = vector.extract_strided_slice %transpose3A {offsets = [0, 2], sizes = [128, 1], strides = [1, 1]} : vector<128x32xi32> to vector<128x1xi32>
    %eq3A_19 = vector.broadcast %slice3A_18 : vector<128x1xi32> to vector<128x256xi32>
    %eq3A_20 = arith.cmpi eq, %iota3A, %eq3A_19 : vector<128x256xi32>
    %jit3A_21 = arith.constant 1.000000e+00 : f32
    %jit3A_22 = arith.constant 0.000000e+00 : f32
    %broadcast_in_dim3A_23 = vector.broadcast %jit3A_21 : f32 to vector<128x256xf32>
    %broadcast_in_dim3A_24 = vector.broadcast %jit3A_22 : f32 to vector<128x256xf32>
    %select_n3A_25 = arith.select %eq3A_20, %broadcast_in_dim3A_23, %broadcast_in_dim3A_24 : vector<128x256xi1>, vector<128x256xf32>
    %swap3A_26 = arith.constant 256 : index
    %swap3A_27 = arith.constant 0 : index
    %swap3A_28 = vector.load %arg2[%swap3A_26, %swap3A_27] : memref<4096x256xf32, #tpu.memory_space<vmem>>, vector<128x256xf32>
    tpu.vector_store %arg2[%swap3A_26, %swap3A_27], %select_n3A_25 {strides = array<i32>} : memref<4096x256xf32, #tpu.memory_space<vmem>>, vector<128x256xf32>,
    %slice3A_29 = vector.extract_strided_slice %transpose3A {offsets = [0, 3], sizes = [128, 1], strides = [1, 1]} : vector<128x32xi32> to vector<128x1xi32>
    %eq3A_30 = vector.broadcast %slice3A_29 : vector<128x1xi32> to vector<128x256xi32>
    %eq3A_31 = arith.cmpi eq, %iota3A, %eq3A_30 : vector<128x256xi32>
    %jit3A_32 = arith.constant 1.000000e+00 : f32
    %jit3A_33 = arith.constant 0.000000e+00 : f32
    %broadcast_in_dim3A_34 = vector.broadcast %jit3A_32 : f32 to vector<128x256xf32>
    %broadcast_in_dim3A_35 = vector.broadcast %jit3A_33 : f32 to vector<128x256xf32>
    %select_n3A_36 = arith.select %eq3A_31, %broadcast_in_dim3A_34, %broadcast_in_dim3A_35 : vector<128x256xi1>, vector<128x256xf32>
    %swap3A_37 = arith.constant 384 : index
    %swap3A_38 = arith.constant 0 : index
    %swap3A_39 = vector.load %arg2[%swap3A_37, %swap3A_38] : memref<4096x256xf32, #tpu.memory_space<vmem>>, vector<128x256xf32>
    tpu.vector_store %arg2[%swap3A_37, %swap3A_38], %select_n3A_36 {strides = array<i32>} : memref<4096x256xf32, #tpu.memory_space<vmem>>, vector<128x256xf32>,
    %slice3A_40 = vector.extract_strided_slice %transpose3A {offsets = [0, 4], sizes = [128, 1], strides = [1, 1]} : vector<128x32xi32> to vector<128x1xi32>
    %eq3A_41 = vector.broadcast %slice3A_40 : vector<128x1xi32> to vector<128x256xi32>
    %eq3A_42 = arith.cmpi eq, %iota3A, %eq3A_41 : vector<128x256xi32>
    %jit3A_43 = arith.constant 1.000000e+00 : f32
    %jit3A_44 = arith.constant 0.000000e+00 : f32
    %broadcast_in_dim3A_45 = vector.broadcast %jit3A_43 : f32 to vector<128x256xf32>
    %broadcast_in_dim3A_46 = vector.broadcast %jit3A_44 : f32 to vector<128x256xf32>
    %select_n3A_47 = arith.select %eq3A_42, %broadcast_in_dim3A_45, %broadcast_in_dim3A_46 : vector<128x256xi1>, vector<128x256xf32>
    %swap3A_48 = arith.constant 512 : index
    %swap3A_49 = arith.constant 0 : index
    %swap3A_50 = vector.load %arg2[%swap3A_48, %swap3A_49] : memref<4096x256xf32, #tpu.memory_space<vmem>>, vector<128x256xf32>
    tpu.vector_store %arg2[%swap3A_48, %swap3A_49], %select_n3A_47 {strides = array<i32>} : memref<4096x256xf32, #tpu.memory_space<vmem>>, vector<128x256xf32>,
    %slice3A_51 = vector.extract_strided_slice %transpose3A {offsets = [0, 5], sizes = [128, 1], strides = [1, 1]} : vector<128x32xi32> to vector<128x1xi32>
    %eq3A_52 = vector.broadcast %slice3A_51 : vector<128x1xi32> to vector<128x256xi32>
    %eq3A_53 = arith.cmpi eq, %iota3A, %eq3A_52 : vector<128x256xi32>
    %jit3A_54 = arith.constant 1.000000e+00 : f32
    %jit3A_55 = arith.constant 0.000000e+00 : f32
    %broadcast_in_dim3A_56 = vector.broadcast %jit3A_54 : f32 to vector<128x256xf32>
    %broadcast_in_dim3A_57 = vector.broadcast %jit3A_55 : f32 to vector<128x256xf32>
    %select_n3A_58 = arith.select %eq3A_53, %broadcast_in_dim3A_56, %broadcast_in_dim3A_57 : vector<128x256xi1>, vector<128x256xf32>
    %swap3A_59 = arith.constant 640 : index
    %swap3A_60 = arith.constant 0 : index
    %swap3A_61 = vector.load %arg2[%swap3A_59, %swap3A_60] : memref<4096x256xf32, #tpu.memory_space<vmem>>, vector<128x256xf32>
    tpu.vector_store %arg2[%swap3A_59, %swap3A_60], %select_n3A_58 {strides = array<i32>} : memref<4096x256xf32, #tpu.memory_space<vmem>>, vector<128x256xf32>,
    %slice3A_62 = vector.extract_strided_slice %transpose3A {offsets = [0, 6], sizes = [128, 1], strides = [1, 1]} : vector<128x32xi32> to vector<128x1xi32>
    %eq3A_63 = vector.broadcast %slice3A_62 : vector<128x1xi32> to vector<128x256xi32>
    %eq3A_64 = arith.cmpi eq, %iota3A, %eq3A_63 : vector<128x256xi32>
    %jit3A_65 = arith.constant 1.000000e+00 : f32
    %jit3A_66 = arith.constant 0.000000e+00 : f32
    %broadcast_in_dim3A_67 = vector.broadcast %jit3A_65 : f32 to vector<128x256xf32>
    %broadcast_in_dim3A_68 = vector.broadcast %jit3A_66 : f32 to vector<128x256xf32>
    %select_n3A_69 = arith.select %eq3A_64, %broadcast_in_dim3A_67, %broadcast_in_dim3A_68 : vector<128x256xi1>, vector<128x256xf32>
    %swap3A_70 = arith.constant 768 : index
    %swap3A_71 = arith.constant 0 : index
    %swap3A_72 = vector.load %arg2[%swap3A_70, %swap3A_71] : memref<4096x256xf32, #tpu.memory_space<vmem>>, vector<128x256xf32>
    tpu.vector_store %arg2[%swap3A_70, %swap3A_71], %select_n3A_69 {strides = array<i32>} : memref<4096x256xf32, #tpu.memory_space<vmem>>, vector<128x256xf32>,
    %slice3A_73 = vector.extract_strided_slice %transpose3A {offsets = [0, 7], sizes = [128, 1], strides = [1, 1]} : vector<128x32xi32> to vector<128x1xi32>
    %eq3A_74 = vector.broadcast %slice3A_73 : vector<128x1xi32> to vector<128x256xi32>
    %eq3A_75 = arith.cmpi eq, %iota3A, %eq3A_74 : vector<128x256xi32>
    %jit3A_76 = arith.constant 1.000000e+00 : f32
    %jit3A_77 = arith.constant 0.000000e+00 : f32
    %broadcast_in_dim3A_78 = vector.broadcast %jit3A_76 : f32 to vector<128x256xf32>
    %broadcast_in_dim3A_79 = vector.broadcast %jit3A_77 : f32 to vector<128x256xf32>
    %select_n3A_80 = arith.select %eq3A_75, %broadcast_in_dim3A_78, %broadcast_in_dim3A_79 : vector<128x256xi1>, vector<128x256xf32>
    %swap3A_81 = arith.constant 896 : index
    %swap3A_82 = arith.constant 0 : index
    %swap3A_83 = vector.load %arg2[%swap3A_81, %swap3A_82] : memref<4096x256xf32, #tpu.memory_space<vmem>>, vector<128x256xf32>
    tpu.vector_store %arg2[%swap3A_81, %swap3A_82], %select_n3A_80 {strides = array<i32>} : memref<4096x256xf32, #tpu.memory_space<vmem>>, vector<128x256xf32>,
    %slice3A_84 = vector.extract_strided_slice %transpose3A {offsets = [0, 8], sizes = [128, 1], strides = [1, 1]} : vector<128x32xi32> to vector<128x1xi32>
    %eq3A_85 = vector.broadcast %slice3A_84 : vector<128x1xi32> to vector<128x256xi32>
    %eq3A_86 = arith.cmpi eq, %iota3A, %eq3A_85 : vector<128x256xi32>
    %jit3A_87 = arith.constant 1.000000e+00 : f32
    %jit3A_88 = arith.constant 0.000000e+00 : f32
    %broadcast_in_dim3A_89 = vector.broadcast %jit3A_87 : f32 to vector<128x256xf32>
    %broadcast_in_dim3A_90 = vector.broadcast %jit3A_88 : f32 to vector<128x256xf32>
    %select_n3A_91 = arith.select %eq3A_86, %broadcast_in_dim3A_89, %broadcast_in_dim3A_90 : vector<128x256xi1>, vector<128x256xf32>
    %swap3A_92 = arith.constant 1024 : index
    %swap3A_93 = arith.constant 0 : index
    %swap3A_94 = vector.load %arg2[%swap3A_92, %swap3A_93] : memref<4096x256xf32, #tpu.memory_space<vmem>>, vector<128x256xf32>
    tpu.vector_store %arg2[%swap3A_92, %swap3A_93], %select_n3A_91 {strides = array<i32>} : memref<4096x256xf32, #tpu.memory_space<vmem>>, vector<128x256xf32>,
    %slice3A_95 = vector.extract_strided_slice %transpose3A {offsets = [0, 9], sizes = [128, 1], strides = [1, 1]} : vector<128x32xi32> to vector<128x1xi32>
    %eq3A_96 = vector.broadcast %slice3A_95 : vector<128x1xi32> to vector<128x256xi32>
    %eq3A_97 = arith.cmpi eq, %iota3A, %eq3A_96 : vector<128x256xi32>
    %jit3A_98 = arith.constant 1.000000e+00 : f32
    %jit3A_99 = arith.constant 0.000000e+00 : f32
    %broadcast_in_dim3A_100 = vector.broadcast %jit3A_98 : f32 to vector<128x256xf32>
    %broadcast_in_dim3A_101 = vector.broadcast %jit3A_99 : f32 to vector<128x256xf32>
    %select_n3A_102 = arith.select %eq3A_97, %broadcast_in_dim3A_100, %broadcast_in_dim3A_101 : vector<128x256xi1>, vector<128x256xf32>
    %swap3A_103 = arith.constant 1152 : index
    %swap3A_104 = arith.constant 0 : index
    %swap3A_105 = vector.load %arg2[%swap3A_103, %swap3A_104] : memref<4096x256xf32, #tpu.memory_space<vmem>>, vector<128x256xf32>
    tpu.vector_store %arg2[%swap3A_103, %swap3A_104], %select_n3A_102 {strides = array<i32>} : memref<4096x256xf32, #tpu.memory_space<vmem>>, vector<128x256xf32>,
    %slice3A_106 = vector.extract_strided_slice %transpose3A {offsets = [0, 10], sizes = [128, 1], strides = [1, 1]} : vector<128x32xi32> to vector<128x1xi32>
    %eq3A_107 = vector.broadcast %slice3A_106 : vector<128x1xi32> to vector<128x256xi32>
    %eq3A_108 = arith.cmpi eq, %iota3A, %eq3A_107 : vector<128x256xi32>
    %jit3A_109 = arith.constant 1.000000e+00 : f32
    %jit3A_110 = arith.constant 0.000000e+00 : f32
    %broadcast_in_dim3A_111 = vector.broadcast %jit3A_109 : f32 to vector<128x256xf32>
    %broadcast_in_dim3A_112 = vector.broadcast %jit3A_110 : f32 to vector<128x256xf32>
    %select_n3A_113 = arith.select %eq3A_108, %broadcast_in_dim3A_111, %broadcast_in_dim3A_112 : vector<128x256xi1>, vector<128x256xf32>
    %swap3A_114 = arith.constant 1280 : index
    %swap3A_115 = arith.constant 0 : index
    %swap3A_116 = vector.load %arg2[%swap3A_114, %swap3A_115] : memref<4096x256xf32, #tpu.memory_space<vmem>>, vector<128x256xf32>
    tpu.vector_store %arg2[%swap3A_114, %swap3A_115], %select_n3A_113 {strides = array<i32>} : memref<4096x256xf32, #tpu.memory_space<vmem>>, vector<128x256xf32>,
    %slice3A_117 = vector.extract_strided_slice %transpose3A {offsets = [0, 11], sizes = [128, 1], strides = [1, 1]} : vector<128x32xi32> to vector<128x1xi32>
    %eq3A_118 = vector.broadcast %slice3A_117 : vector<128x1xi32> to vector<128x256xi32>
    %eq3A_119 = arith.cmpi eq, %iota3A, %eq3A_118 : vector<128x256xi32>
    %jit3A_120 = arith.constant 1.000000e+00 : f32
    %jit3A_121 = arith.constant 0.000000e+00 : f32
    %broadcast_in_dim3A_122 = vector.broadcast %jit3A_120 : f32 to vector<128x256xf32>
    %broadcast_in_dim3A_123 = vector.broadcast %jit3A_121 : f32 to vector<128x256xf32>
    %select_n3A_124 = arith.select %eq3A_119, %broadcast_in_dim3A_122, %broadcast_in_dim3A_123 : vector<128x256xi1>, vector<128x256xf32>
    %swap3A_125 = arith.constant 1408 : index
    %swap3A_126 = arith.constant 0 : index
    %swap3A_127 = vector.load %arg2[%swap3A_125, %swap3A_126] : memref<4096x256xf32, #tpu.memory_space<vmem>>, vector<128x256xf32>
    tpu.vector_store %arg2[%swap3A_125, %swap3A_126], %select_n3A_124 {strides = array<i32>} : memref<4096x256xf32, #tpu.memory_space<vmem>>, vector<128x256xf32>,
    %slice3A_128 = vector.extract_strided_slice %transpose3A {offsets = [0, 12], sizes = [128, 1], strides = [1, 1]} : vector<128x32xi32> to vector<128x1xi32>
    %eq3A_129 = vector.broadcast %slice3A_128 : vector<128x1xi32> to vector<128x256xi32>
    %eq3A_130 = arith.cmpi eq, %iota3A, %eq3A_129 : vector<128x256xi32>
    %jit3A_131 = arith.constant 1.000000e+00 : f32
    %jit3A_132 = arith.constant 0.000000e+00 : f32
    %broadcast_in_dim3A_133 = vector.broadcast %jit3A_131 : f32 to vector<128x256xf32>
    %broadcast_in_dim3A_134 = vector.broadcast %jit3A_132 : f32 to vector<128x256xf32>
    %select_n3A_135 = arith.select %eq3A_130, %broadcast_in_dim3A_133, %broadcast_in_dim3A_134 : vector<128x256xi1>, vector<128x256xf32>
    %swap3A_136 = arith.constant 1536 : index
    %swap3A_137 = arith.constant 0 : index
    %swap3A_138 = vector.load %arg2[%swap3A_136, %swap3A_137] : memref<4096x256xf32, #tpu.memory_space<vmem>>, vector<128x256xf32>
    tpu.vector_store %arg2[%swap3A_136, %swap3A_137], %select_n3A_135 {strides = array<i32>} : memref<4096x256xf32, #tpu.memory_space<vmem>>, vector<128x256xf32>,
    %slice3A_139 = vector.extract_strided_slice %transpose3A {offsets = [0, 13], sizes = [128, 1], strides = [1, 1]} : vector<128x32xi32> to vector<128x1xi32>
    %eq3A_140 = vector.broadcast %slice3A_139 : vector<128x1xi32> to vector<128x256xi32>
    %eq3A_141 = arith.cmpi eq, %iota3A, %eq3A_140 : vector<128x256xi32>
    %jit3A_142 = arith.constant 1.000000e+00 : f32
    %jit3A_143 = arith.constant 0.000000e+00 : f32
    %broadcast_in_dim3A_144 = vector.broadcast %jit3A_142 : f32 to vector<128x256xf32>
    %broadcast_in_dim3A_145 = vector.broadcast %jit3A_143 : f32 to vector<128x256xf32>
    %select_n3A_146 = arith.select %eq3A_141, %broadcast_in_dim3A_144, %broadcast_in_dim3A_145 : vector<128x256xi1>, vector<128x256xf32>
    %swap3A_147 = arith.constant 1664 : index
    %swap3A_148 = arith.constant 0 : index
    %swap3A_149 = vector.load %arg2[%swap3A_147, %swap3A_148] : memref<4096x256xf32, #tpu.memory_space<vmem>>, vector<128x256xf32>
    tpu.vector_store %arg2[%swap3A_147, %swap3A_148], %select_n3A_146 {strides = array<i32>} : memref<4096x256xf32, #tpu.memory_space<vmem>>, vector<128x256xf32>,
    %slice3A_150 = vector.extract_strided_slice %transpose3A {offsets = [0, 14], sizes = [128, 1], strides = [1, 1]} : vector<128x32xi32> to vector<128x1xi32>
    %eq3A_151 = vector.broadcast %slice3A_150 : vector<128x1xi32> to vector<128x256xi32>
    %eq3A_152 = arith.cmpi eq, %iota3A, %eq3A_151 : vector<128x256xi32>
    %jit3A_153 = arith.constant 1.000000e+00 : f32
    %jit3A_154 = arith.constant 0.000000e+00 : f32
    %broadcast_in_dim3A_155 = vector.broadcast %jit3A_153 : f32 to vector<128x256xf32>
    %broadcast_in_dim3A_156 = vector.broadcast %jit3A_154 : f32 to vector<128x256xf32>
    %select_n3A_157 = arith.select %eq3A_152, %broadcast_in_dim3A_155, %broadcast_in_dim3A_156 : vector<128x256xi1>, vector<128x256xf32>
    %swap3A_158 = arith.constant 1792 : index
    %swap3A_159 = arith.constant 0 : index
    %swap3A_160 = vector.load %arg2[%swap3A_158, %swap3A_159] : memref<4096x256xf32, #tpu.memory_space<vmem>>, vector<128x256xf32>
    tpu.vector_store %arg2[%swap3A_158, %swap3A_159], %select_n3A_157 {strides = array<i32>} : memref<4096x256xf32, #tpu.memory_space<vmem>>, vector<128x256xf32>,
    %slice3A_161 = vector.extract_strided_slice %transpose3A {offsets = [0, 15], sizes = [128, 1], strides = [1, 1]} : vector<128x32xi32> to vector<128x1xi32>
    %eq3A_162 = vector.broadcast %slice3A_161 : vector<128x1xi32> to vector<128x256xi32>
    %eq3A_163 = arith.cmpi eq, %iota3A, %eq3A_162 : vector<128x256xi32>
    %jit3A_164 = arith.constant 1.000000e+00 : f32
    %jit3A_165 = arith.constant 0.000000e+00 : f32
    %broadcast_in_dim3A_166 = vector.broadcast %jit3A_164 : f32 to vector<128x256xf32>
    %broadcast_in_dim3A_167 = vector.broadcast %jit3A_165 : f32 to vector<128x256xf32>
    %select_n3A_168 = arith.select %eq3A_163, %broadcast_in_dim3A_166, %broadcast_in_dim3A_167 : vector<128x256xi1>, vector<128x256xf32>
    %swap3A_169 = arith.constant 1920 : index
    %swap3A_170 = arith.constant 0 : index
    %swap3A_171 = vector.load %arg2[%swap3A_169, %swap3A_170] : memref<4096x256xf32, #tpu.memory_space<vmem>>, vector<128x256xf32>
    tpu.vector_store %arg2[%swap3A_169, %swap3A_170], %select_n3A_168 {strides = array<i32>} : memref<4096x256xf32, #tpu.memory_space<vmem>>, vector<128x256xf32>,
    %slice3A_172 = vector.extract_strided_slice %transpose3A {offsets = [0, 16], sizes = [128, 1], strides = [1, 1]} : vector<128x32xi32> to vector<128x1xi32>
    %eq3A_173 = vector.broadcast %slice3A_172 : vector<128x1xi32> to vector<128x256xi32>
    %eq3A_174 = arith.cmpi eq, %iota3A, %eq3A_173 : vector<128x256xi32>
    %jit3A_175 = arith.constant 1.000000e+00 : f32
    %jit3A_176 = arith.constant 0.000000e+00 : f32
    %broadcast_in_dim3A_177 = vector.broadcast %jit3A_175 : f32 to vector<128x256xf32>
    %broadcast_in_dim3A_178 = vector.broadcast %jit3A_176 : f32 to vector<128x256xf32>
    %select_n3A_179 = arith.select %eq3A_174, %broadcast_in_dim3A_177, %broadcast_in_dim3A_178 : vector<128x256xi1>, vector<128x256xf32>
    %swap3A_180 = arith.constant 2048 : index
    %swap3A_181 = arith.constant 0 : index
    %swap3A_182 = vector.load %arg2[%swap3A_180, %swap3A_181] : memref<4096x256xf32, #tpu.memory_space<vmem>>, vector<128x256xf32>
    tpu.vector_store %arg2[%swap3A_180, %swap3A_181], %select_n3A_179 {strides = array<i32>} : memref<4096x256xf32, #tpu.memory_space<vmem>>, vector<128x256xf32>,
    %slice3A_183 = vector.extract_strided_slice %transpose3A {offsets = [0, 17], sizes = [128, 1], strides = [1, 1]} : vector<128x32xi32> to vector<128x1xi32>
    %eq3A_184 = vector.broadcast %slice3A_183 : vector<128x1xi32> to vector<128x256xi32>
    %eq3A_185 = arith.cmpi eq, %iota3A, %eq3A_184 : vector<128x256xi32>
    %jit3A_186 = arith.constant 1.000000e+00 : f32
    %jit3A_187 = arith.constant 0.000000e+00 : f32
    %broadcast_in_dim3A_188 = vector.broadcast %jit3A_186 : f32 to vector<128x256xf32>
    %broadcast_in_dim3A_189 = vector.broadcast %jit3A_187 : f32 to vector<128x256xf32>
    %select_n3A_190 = arith.select %eq3A_185, %broadcast_in_dim3A_188, %broadcast_in_dim3A_189 : vector<128x256xi1>, vector<128x256xf32>
    %swap3A_191 = arith.constant 2176 : index
    %swap3A_192 = arith.constant 0 : index
    %swap3A_193 = vector.load %arg2[%swap3A_191, %swap3A_192] : memref<4096x256xf32, #tpu.memory_space<vmem>>, vector<128x256xf32>
    tpu.vector_store %arg2[%swap3A_191, %swap3A_192], %select_n3A_190 {strides = array<i32>} : memref<4096x256xf32, #tpu.memory_space<vmem>>, vector<128x256xf32>,
    %slice3A_194 = vector.extract_strided_slice %transpose3A {offsets = [0, 18], sizes = [128, 1], strides = [1, 1]} : vector<128x32xi32> to vector<128x1xi32>
    %eq3A_195 = vector.broadcast %slice3A_194 : vector<128x1xi32> to vector<128x256xi32>
    %eq3A_196 = arith.cmpi eq, %iota3A, %eq3A_195 : vector<128x256xi32>
    %jit3A_197 = arith.constant 1.000000e+00 : f32
    %jit3A_198 = arith.constant 0.000000e+00 : f32
    %broadcast_in_dim3A_199 = vector.broadcast %jit3A_197 : f32 to vector<128x256xf32>
    %broadcast_in_dim3A_200 = vector.broadcast %jit3A_198 : f32 to vector<128x256xf32>
    %select_n3A_201 = arith.select %eq3A_196, %broadcast_in_dim3A_199, %broadcast_in_dim3A_200 : vector<128x256xi1>, vector<128x256xf32>
    %swap3A_202 = arith.constant 2304 : index
    %swap3A_203 = arith.constant 0 : index
    %swap3A_204 = vector.load %arg2[%swap3A_202, %swap3A_203] : memref<4096x256xf32, #tpu.memory_space<vmem>>, vector<128x256xf32>
    tpu.vector_store %arg2[%swap3A_202, %swap3A_203], %select_n3A_201 {strides = array<i32>} : memref<4096x256xf32, #tpu.memory_space<vmem>>, vector<128x256xf32>,
    %slice3A_205 = vector.extract_strided_slice %transpose3A {offsets = [0, 19], sizes = [128, 1], strides = [1, 1]} : vector<128x32xi32> to vector<128x1xi32>
    %eq3A_206 = vector.broadcast %slice3A_205 : vector<128x1xi32> to vector<128x256xi32>
    %eq3A_207 = arith.cmpi eq, %iota3A, %eq3A_206 : vector<128x256xi32>
    %jit3A_208 = arith.constant 1.000000e+00 : f32
    %jit3A_209 = arith.constant 0.000000e+00 : f32
    %broadcast_in_dim3A_210 = vector.broadcast %jit3A_208 : f32 to vector<128x256xf32>
    %broadcast_in_dim3A_211 = vector.broadcast %jit3A_209 : f32 to vector<128x256xf32>
    %select_n3A_212 = arith.select %eq3A_207, %broadcast_in_dim3A_210, %broadcast_in_dim3A_211 : vector<128x256xi1>, vector<128x256xf32>
    %swap3A_213 = arith.constant 2432 : index
    %swap3A_214 = arith.constant 0 : index
    %swap3A_215 = vector.load %arg2[%swap3A_213, %swap3A_214] : memref<4096x256xf32, #tpu.memory_space<vmem>>, vector<128x256xf32>
    tpu.vector_store %arg2[%swap3A_213, %swap3A_214], %select_n3A_212 {strides = array<i32>} : memref<4096x256xf32, #tpu.memory_space<vmem>>, vector<128x256xf32>,
    %slice3A_216 = vector.extract_strided_slice %transpose3A {offsets = [0, 20], sizes = [128, 1], strides = [1, 1]} : vector<128x32xi32> to vector<128x1xi32>
    %eq3A_217 = vector.broadcast %slice3A_216 : vector<128x1xi32> to vector<128x256xi32>
    %eq3A_218 = arith.cmpi eq, %iota3A, %eq3A_217 : vector<128x256xi32>
    %jit3A_219 = arith.constant 1.000000e+00 : f32
    %jit3A_220 = arith.constant 0.000000e+00 : f32
    %broadcast_in_dim3A_221 = vector.broadcast %jit3A_219 : f32 to vector<128x256xf32>
    %broadcast_in_dim3A_222 = vector.broadcast %jit3A_220 : f32 to vector<128x256xf32>
    %select_n3A_223 = arith.select %eq3A_218, %broadcast_in_dim3A_221, %broadcast_in_dim3A_222 : vector<128x256xi1>, vector<128x256xf32>
    %swap3A_224 = arith.constant 2560 : index
    %swap3A_225 = arith.constant 0 : index
    %swap3A_226 = vector.load %arg2[%swap3A_224, %swap3A_225] : memref<4096x256xf32, #tpu.memory_space<vmem>>, vector<128x256xf32>
    tpu.vector_store %arg2[%swap3A_224, %swap3A_225], %select_n3A_223 {strides = array<i32>} : memref<4096x256xf32, #tpu.memory_space<vmem>>, vector<128x256xf32>,
    %slice3A_227 = vector.extract_strided_slice %transpose3A {offsets = [0, 21], sizes = [128, 1], strides = [1, 1]} : vector<128x32xi32> to vector<128x1xi32>
    %eq3A_228 = vector.broadcast %slice3A_227 : vector<128x1xi32> to vector<128x256xi32>
    %eq3A_229 = arith.cmpi eq, %iota3A, %eq3A_228 : vector<128x256xi32>
    %jit3A_230 = arith.constant 1.000000e+00 : f32
    %jit3A_231 = arith.constant 0.000000e+00 : f32
    %broadcast_in_dim3A_232 = vector.broadcast %jit3A_230 : f32 to vector<128x256xf32>
    %broadcast_in_dim3A_233 = vector.broadcast %jit3A_231 : f32 to vector<128x256xf32>
    %select_n3A_234 = arith.select %eq3A_229, %broadcast_in_dim3A_232, %broadcast_in_dim3A_233 : vector<128x256xi1>, vector<128x256xf32>
    %swap3A_235 = arith.constant 2688 : index
    %swap3A_236 = arith.constant 0 : index
    %swap3A_237 = vector.load %arg2[%swap3A_235, %swap3A_236] : memref<4096x256xf32, #tpu.memory_space<vmem>>, vector<128x256xf32>
    tpu.vector_store %arg2[%swap3A_235, %swap3A_236], %select_n3A_234 {strides = array<i32>} : memref<4096x256xf32, #tpu.memory_space<vmem>>, vector<128x256xf32>,
    %slice3A_238 = vector.extract_strided_slice %transpose3A {offsets = [0, 22], sizes = [128, 1], strides = [1, 1]} : vector<128x32xi32> to vector<128x1xi32>
    %eq3A_239 = vector.broadcast %slice3A_238 : vector<128x1xi32> to vector<128x256xi32>
    %eq3A_240 = arith.cmpi eq, %iota3A, %eq3A_239 : vector<128x256xi32>
    %jit3A_241 = arith.constant 1.000000e+00 : f32
    %jit3A_242 = arith.constant 0.000000e+00 : f32
    %broadcast_in_dim3A_243 = vector.broadcast %jit3A_241 : f32 to vector<128x256xf32>
    %broadcast_in_dim3A_244 = vector.broadcast %jit3A_242 : f32 to vector<128x256xf32>
    %select_n3A_245 = arith.select %eq3A_240, %broadcast_in_dim3A_243, %broadcast_in_dim3A_244 : vector<128x256xi1>, vector<128x256xf32>
    %swap3A_246 = arith.constant 2816 : index
    %swap3A_247 = arith.constant 0 : index
    %swap3A_248 = vector.load %arg2[%swap3A_246, %swap3A_247] : memref<4096x256xf32, #tpu.memory_space<vmem>>, vector<128x256xf32>
    tpu.vector_store %arg2[%swap3A_246, %swap3A_247], %select_n3A_245 {strides = array<i32>} : memref<4096x256xf32, #tpu.memory_space<vmem>>, vector<128x256xf32>,
    %slice3A_249 = vector.extract_strided_slice %transpose3A {offsets = [0, 23], sizes = [128, 1], strides = [1, 1]} : vector<128x32xi32> to vector<128x1xi32>
    %eq3A_250 = vector.broadcast %slice3A_249 : vector<128x1xi32> to vector<128x256xi32>
    %eq3A_251 = arith.cmpi eq, %iota3A, %eq3A_250 : vector<128x256xi32>
    %jit3A_252 = arith.constant 1.000000e+00 : f32
    %jit3A_253 = arith.constant 0.000000e+00 : f32
    %broadcast_in_dim3A_254 = vector.broadcast %jit3A_252 : f32 to vector<128x256xf32>
    %broadcast_in_dim3A_255 = vector.broadcast %jit3A_253 : f32 to vector<128x256xf32>
    %select_n3A_256 = arith.select %eq3A_251, %broadcast_in_dim3A_254, %broadcast_in_dim3A_255 : vector<128x256xi1>, vector<128x256xf32>
    %swap3A_257 = arith.constant 2944 : index
    %swap3A_258 = arith.constant 0 : index
    %swap3A_259 = vector.load %arg2[%swap3A_257, %swap3A_258] : memref<4096x256xf32, #tpu.memory_space<vmem>>, vector<128x256xf32>
    tpu.vector_store %arg2[%swap3A_257, %swap3A_258], %select_n3A_256 {strides = array<i32>} : memref<4096x256xf32, #tpu.memory_space<vmem>>, vector<128x256xf32>,
    %slice3A_260 = vector.extract_strided_slice %transpose3A {offsets = [0, 24], sizes = [128, 1], strides = [1, 1]} : vector<128x32xi32> to vector<128x1xi32>
    %eq3A_261 = vector.broadcast %slice3A_260 : vector<128x1xi32> to vector<128x256xi32>
    %eq3A_262 = arith.cmpi eq, %iota3A, %eq3A_261 : vector<128x256xi32>
    %jit3A_263 = arith.constant 1.000000e+00 : f32
    %jit3A_264 = arith.constant 0.000000e+00 : f32
    %broadcast_in_dim3A_265 = vector.broadcast %jit3A_263 : f32 to vector<128x256xf32>
    %broadcast_in_dim3A_266 = vector.broadcast %jit3A_264 : f32 to vector<128x256xf32>
    %select_n3A_267 = arith.select %eq3A_262, %broadcast_in_dim3A_265, %broadcast_in_dim3A_266 : vector<128x256xi1>, vector<128x256xf32>
    %swap3A_268 = arith.constant 3072 : index
    %swap3A_269 = arith.constant 0 : index
    %swap3A_270 = vector.load %arg2[%swap3A_268, %swap3A_269] : memref<4096x256xf32, #tpu.memory_space<vmem>>, vector<128x256xf32>
    tpu.vector_store %arg2[%swap3A_268, %swap3A_269], %select_n3A_267 {strides = array<i32>} : memref<4096x256xf32, #tpu.memory_space<vmem>>, vector<128x256xf32>,
    %slice3A_271 = vector.extract_strided_slice %transpose3A {offsets = [0, 25], sizes = [128, 1], strides = [1, 1]} : vector<128x32xi32> to vector<128x1xi32>
    %eq3A_272 = vector.broadcast %slice3A_271 : vector<128x1xi32> to vector<128x256xi32>
    %eq3A_273 = arith.cmpi eq, %iota3A, %eq3A_272 : vector<128x256xi32>
    %jit3A_274 = arith.constant 1.000000e+00 : f32
    %jit3A_275 = arith.constant 0.000000e+00 : f32
    %broadcast_in_dim3A_276 = vector.broadcast %jit3A_274 : f32 to vector<128x256xf32>
    %broadcast_in_dim3A_277 = vector.broadcast %jit3A_275 : f32 to vector<128x256xf32>
    %select_n3A_278 = arith.select %eq3A_273, %broadcast_in_dim3A_276, %broadcast_in_dim3A_277 : vector<128x256xi1>, vector<128x256xf32>
    %swap3A_279 = arith.constant 3200 : index
    %swap3A_280 = arith.constant 0 : index
    %swap3A_281 = vector.load %arg2[%swap3A_279, %swap3A_280] : memref<4096x256xf32, #tpu.memory_space<vmem>>, vector<128x256xf32>
    tpu.vector_store %arg2[%swap3A_279, %swap3A_280], %select_n3A_278 {strides = array<i32>} : memref<4096x256xf32, #tpu.memory_space<vmem>>, vector<128x256xf32>,
    %slice3A_282 = vector.extract_strided_slice %transpose3A {offsets = [0, 26], sizes = [128, 1], strides = [1, 1]} : vector<128x32xi32> to vector<128x1xi32>
    %eq3A_283 = vector.broadcast %slice3A_282 : vector<128x1xi32> to vector<128x256xi32>
    %eq3A_284 = arith.cmpi eq, %iota3A, %eq3A_283 : vector<128x256xi32>
    %jit3A_285 = arith.constant 1.000000e+00 : f32
    %jit3A_286 = arith.constant 0.000000e+00 : f32
    %broadcast_in_dim3A_287 = vector.broadcast %jit3A_285 : f32 to vector<128x256xf32>
    %broadcast_in_dim3A_288 = vector.broadcast %jit3A_286 : f32 to vector<128x256xf32>
    %select_n3A_289 = arith.select %eq3A_284, %broadcast_in_dim3A_287, %broadcast_in_dim3A_288 : vector<128x256xi1>, vector<128x256xf32>
    %swap3A_290 = arith.constant 3328 : index
    %swap3A_291 = arith.constant 0 : index
    %swap3A_292 = vector.load %arg2[%swap3A_290, %swap3A_291] : memref<4096x256xf32, #tpu.memory_space<vmem>>, vector<128x256xf32>
    tpu.vector_store %arg2[%swap3A_290, %swap3A_291], %select_n3A_289 {strides = array<i32>} : memref<4096x256xf32, #tpu.memory_space<vmem>>, vector<128x256xf32>,
    %slice3A_293 = vector.extract_strided_slice %transpose3A {offsets = [0, 27], sizes = [128, 1], strides = [1, 1]} : vector<128x32xi32> to vector<128x1xi32>
    %eq3A_294 = vector.broadcast %slice3A_293 : vector<128x1xi32> to vector<128x256xi32>
    %eq3A_295 = arith.cmpi eq, %iota3A, %eq3A_294 : vector<128x256xi32>
    %jit3A_296 = arith.constant 1.000000e+00 : f32
    %jit3A_297 = arith.constant 0.000000e+00 : f32
    %broadcast_in_dim3A_298 = vector.broadcast %jit3A_296 : f32 to vector<128x256xf32>
    %broadcast_in_dim3A_299 = vector.broadcast %jit3A_297 : f32 to vector<128x256xf32>
    %select_n3A_300 = arith.select %eq3A_295, %broadcast_in_dim3A_298, %broadcast_in_dim3A_299 : vector<128x256xi1>, vector<128x256xf32>
    %swap3A_301 = arith.constant 3456 : index
    %swap3A_302 = arith.constant 0 : index
    %swap3A_303 = vector.load %arg2[%swap3A_301, %swap3A_302] : memref<4096x256xf32, #tpu.memory_space<vmem>>, vector<128x256xf32>
    tpu.vector_store %arg2[%swap3A_301, %swap3A_302], %select_n3A_300 {strides = array<i32>} : memref<4096x256xf32, #tpu.memory_space<vmem>>, vector<128x256xf32>,
    %slice3A_304 = vector.extract_strided_slice %transpose3A {offsets = [0, 28], sizes = [128, 1], strides = [1, 1]} : vector<128x32xi32> to vector<128x1xi32>
    %eq3A_305 = vector.broadcast %slice3A_304 : vector<128x1xi32> to vector<128x256xi32>
    %eq3A_306 = arith.cmpi eq, %iota3A, %eq3A_305 : vector<128x256xi32>
    %jit3A_307 = arith.constant 1.000000e+00 : f32
    %jit3A_308 = arith.constant 0.000000e+00 : f32
    %broadcast_in_dim3A_309 = vector.broadcast %jit3A_307 : f32 to vector<128x256xf32>
    %broadcast_in_dim3A_310 = vector.broadcast %jit3A_308 : f32 to vector<128x256xf32>
    %select_n3A_311 = arith.select %eq3A_306, %broadcast_in_dim3A_309, %broadcast_in_dim3A_310 : vector<128x256xi1>, vector<128x256xf32>
    %swap3A_312 = arith.constant 3584 : index
    %swap3A_313 = arith.constant 0 : index
    %swap3A_314 = vector.load %arg2[%swap3A_312, %swap3A_313] : memref<4096x256xf32, #tpu.memory_space<vmem>>, vector<128x256xf32>
    tpu.vector_store %arg2[%swap3A_312, %swap3A_313], %select_n3A_311 {strides = array<i32>} : memref<4096x256xf32, #tpu.memory_space<vmem>>, vector<128x256xf32>,
    %slice3A_315 = vector.extract_strided_slice %transpose3A {offsets = [0, 29], sizes = [128, 1], strides = [1, 1]} : vector<128x32xi32> to vector<128x1xi32>
    %eq3A_316 = vector.broadcast %slice3A_315 : vector<128x1xi32> to vector<128x256xi32>
    %eq3A_317 = arith.cmpi eq, %iota3A, %eq3A_316 : vector<128x256xi32>
    %jit3A_318 = arith.constant 1.000000e+00 : f32
    %jit3A_319 = arith.constant 0.000000e+00 : f32
    %broadcast_in_dim3A_320 = vector.broadcast %jit3A_318 : f32 to vector<128x256xf32>
    %broadcast_in_dim3A_321 = vector.broadcast %jit3A_319 : f32 to vector<128x256xf32>
    %select_n3A_322 = arith.select %eq3A_317, %broadcast_in_dim3A_320, %broadcast_in_dim3A_321 : vector<128x256xi1>, vector<128x256xf32>
    %swap3A_323 = arith.constant 3712 : index
    %swap3A_324 = arith.constant 0 : index
    %swap3A_325 = vector.load %arg2[%swap3A_323, %swap3A_324] : memref<4096x256xf32, #tpu.memory_space<vmem>>, vector<128x256xf32>
    tpu.vector_store %arg2[%swap3A_323, %swap3A_324], %select_n3A_322 {strides = array<i32>} : memref<4096x256xf32, #tpu.memory_space<vmem>>, vector<128x256xf32>,
    %slice3A_326 = vector.extract_strided_slice %transpose3A {offsets = [0, 30], sizes = [128, 1], strides = [1, 1]} : vector<128x32xi32> to vector<128x1xi32>
    %eq3A_327 = vector.broadcast %slice3A_326 : vector<128x1xi32> to vector<128x256xi32>
    %eq3A_328 = arith.cmpi eq, %iota3A, %eq3A_327 : vector<128x256xi32>
    %jit3A_329 = arith.constant 1.000000e+00 : f32
    %jit3A_330 = arith.constant 0.000000e+00 : f32
    %broadcast_in_dim3A_331 = vector.broadcast %jit3A_329 : f32 to vector<128x256xf32>
    %broadcast_in_dim3A_332 = vector.broadcast %jit3A_330 : f32 to vector<128x256xf32>
    %select_n3A_333 = arith.select %eq3A_328, %broadcast_in_dim3A_331, %broadcast_in_dim3A_332 : vector<128x256xi1>, vector<128x256xf32>
    %swap3A_334 = arith.constant 3840 : index
    %swap3A_335 = arith.constant 0 : index
    %swap3A_336 = vector.load %arg2[%swap3A_334, %swap3A_335] : memref<4096x256xf32, #tpu.memory_space<vmem>>, vector<128x256xf32>
    tpu.vector_store %arg2[%swap3A_334, %swap3A_335], %select_n3A_333 {strides = array<i32>} : memref<4096x256xf32, #tpu.memory_space<vmem>>, vector<128x256xf32>,
    %slice3A_337 = vector.extract_strided_slice %transpose3A {offsets = [0, 31], sizes = [128, 1], strides = [1, 1]} : vector<128x32xi32> to vector<128x1xi32>
    %eq3A_338 = vector.broadcast %slice3A_337 : vector<128x1xi32> to vector<128x256xi32>
    %eq3A_339 = arith.cmpi eq, %iota3A, %eq3A_338 : vector<128x256xi32>
    %jit3A_340 = arith.constant 1.000000e+00 : f32
    %jit3A_341 = arith.constant 0.000000e+00 : f32
    %broadcast_in_dim3A_342 = vector.broadcast %jit3A_340 : f32 to vector<128x256xf32>
    %broadcast_in_dim3A_343 = vector.broadcast %jit3A_341 : f32 to vector<128x256xf32>
    %select_n3A_344 = arith.select %eq3A_339, %broadcast_in_dim3A_342, %broadcast_in_dim3A_343 : vector<128x256xi1>, vector<128x256xf32>
    %swap3A_345 = arith.constant 3968 : index
    %swap3A_346 = arith.constant 0 : index
    %swap3A_347 = vector.load %arg2[%swap3A_345, %swap3A_346] : memref<4096x256xf32, #tpu.memory_space<vmem>>, vector<128x256xf32>
    tpu.vector_store %arg2[%swap3A_345, %swap3A_346], %select_n3A_344 {strides = array<i32>} : memref<4096x256xf32, #tpu.memory_space<vmem>>, vector<128x256xf32>,
    return
  }
  func.func @transform_0(%arg0: i32) -> (i32, i32) {
    %c0_i32 = arith.constant 0 : i32
    %c0_i32_0 = arith.constant 0 : i32
    return %arg0, %c0_i32 : i32, i32
  }
  func.func @transform_1(%arg0: i32) -> (i32, i32) {
    %c0_i32 = arith.constant 0 : i32
    %c0_i32_0 = arith.constant 0 : i32
    return %arg0, %c0_i32 : i32, i32
  }
}

</mosaic_0001>

<sc_bundles>
// kernel: kernel.4.cloned.1.call-start
scs
__scs_entry_jumppad:
0x0: {  	(pc) =	sbr.rel $0x88, $3  }
0x1: {  	(tag) =	ssettag $0x0;
	lr =	simm.s32 $0x1  }
0x2: {  	[smem:$0x3FA0] =	sst lr;
	_ =	strace $0xD0000000  }
0x3: {  	_ = 	snop  }
0x4: {  	_ = 	snop  }
0x5: {  	_ = 	snop  }
0x6: {  	_ = 	snop  }
0x7: {  	_ = 	snop  }
__scs_overlays_trampoline_lowered:
0x8: {  	[smem:$0x3FAF] =	sst s0  }
0x9: {  	[smem:$0x3FB0] =	sst s1  }
0xa: {  	[smem:$0x3FB1] =	sst s2  }
0xb: {  	[smem:$0x3FB2] =	sst s3  }
0xc: {  	[smem:$0x3FB3] =	sst s4  }
0xd: {  	[smem:$0x3FB4] =	sst s5  }
0xe: {  	[smem:$0x3FB5] =	sst s6  }
0xf: {  	[smem:$0x3FB6] =	sst s7  }
0x10: {  	[smem:$0x3FB7] =	sst s8  }
0x11: {  	[smem:$0x3FB8] =	sst s9;
	s0 =	simm.s32 @!p0 $0x0  }
0x12: {  	s1 =	sld [smem:$0x3F9E];
	s0 =	simm.s32 @p0 $0x1  }
0x13: {  	[smem:$0x3FB9] =	sst s0;
	s0 =	simm.s32 @!p1 $0x0  }
0x14: {  	s2 =	sld [smem:$0x3F9D];
	s0 =	simm.s32 @p1 $0x1  }
0x15: {  	[smem:$0x3FBA] =	sst s0;
	s0 =	simm.s32 @!p2 $0x0  }
0x16: {  	s3 =	sld [smem:$0x3FDB];
	s0 =	simm.s32 @p2 $0x1  }
0x17: {  	s4 =	simm.s32 $0x1BF5;
	[smem:$0x3FBC] =	sst s0  }
0x18: {  	s0 =	sld [smem:$0x3F9F];
	_ =	swait.ge [sflag:s4], $0x0  }
0x19: {  	s7 =	sld [smem:$0x3FA0]  }
0x1a: {  	s8 =	sadd.s32 $0xFFFFE003, lr  }
0x1b: {  	s9 =	sadd.s32 $0xFFFFFEF7, lr;
	s5 =	simm.s32 $0xFFFFFFFF;
	p2 =	slt.u32 s8, $0xFFFFF086  }
0x1c: {  	p1 =	slt.u32 s9, $0xF7A;
	s5 =	simm.s32 @!p2 $0x0  }
0x1d: {  	s5 =	simm.s32 @p1 $0x1;
	p0 =	seq.s32 s7, s2  }
0x1e: {  	s7 =	smul.u32 @!p0 $0xF7A, s2;
	p2 =	seq.s32 @!p0 s5, $0x0  }
0x1f: {  	s9 =	smul.u32 $0xF7A, s1;
	s8 =	simm.s32 @!p0 $0x1BF5;
	p2 =	por !p2, p0  }
0x20: {  	[sflag:s8] =	ssyncset.s32 @!p0 $0xFFFFF086;
	s6 =	sadd.s32 @!p0 s3, s7;
	s7 =	simm.s32 @!p0 $0x108  }
0x21: {  	s3 =	sadd.s32 s3, s9;
	s6 =	sadd.s32 @!p0 $0x88, s6;
	s7 =	simm.s32 @p2 $0x1082  }
0x22: {  	[simem:s7], [sflag:s8] =	dma.local @!p0 [hbm:s6], $0xF7A  }
0x23: {  	s9 =	sor.u32 $0xD0000000, s2;
	s6 =	simm.s32 $0x108;
	_ =	swait.ge @!p0 [sflag:s8], $0x0  }
0x24: {  	s3 =	sadd.s32 $0x88, s3;
	s6 =	simm.s32 @!p1 $0x1082;
	[sflag:s4] =	ssyncset.s32 $0xFFFFF086  }
0x25: {  	[simem:s6], [sflag:s4] =	dma.local [hbm:s3], $0xF7A  }
0x26: {  	[smem:$0x3FA0] =	sst s1;
	(tag) =	ssettag s2;
	_ =	strace s9  }
0x27: {  	s1 =	sld [smem:$0x3FB0]  }
0x28: {  	s2 =	sld [smem:$0x3FB1]  }
0x29: {  	s4 =	sld [smem:$0x3FB3]  }
0x2a: {  	p0 =	seq.s32 s5, $0x0;
	s5 =	sld [smem:$0x3FB4]  }
0x2b: {  	s6 =	sld [smem:$0x3FB5]  }
0x2c: {  	s7 =	sld [smem:$0x3FB6]  }
0x2d: {  	s3 =	simm.s32 $0x108;
	s8 =	sld [smem:$0x3FB7]  }
0x2e: {  	s3 =	simm.s32 @!p0 $0x1082;
	s9 =	sld [smem:$0x3FB8]  }
0x2f: {  	lr =	sadd.s32 s0, s3;
	s0 =	sld [smem:$0x3FAF]  }
0x30: {  	s3 =	sld [smem:$0x3FB2]  }
0x31: {  	[smem:$0x3FBB] =	sst s10  }
0x32: {  	s10 =	sld [smem:$0x3FB9];
	_ =	sdelay $0x3  }
0x33: {  	p0 =	seq.s32 s10, $0x1;
	s10 =	sld [smem:$0x3FBB];
	_ =	sdelay $0x3  }
0x34: {  	[smem:$0x3FBB] =	sst s10  }
0x35: {  	s10 =	sld [smem:$0x3FBA];
	_ =	sdelay $0x3  }
0x36: {  	p1 =	seq.s32 s10, $0x1;
	s10 =	sld [smem:$0x3FBB];
	_ =	sdelay $0x3  }
0x37: {  	[smem:$0x3FBB] =	sst s10  }
0x38: {  	s10 =	sld [smem:$0x3FBC]  }
0x39: {  	_ = 	snop;
	(pc) =	sbr.ind lr, $3  }
0x3a: {  	_ = 	snop  }
0x3b: {  	_ = 	snop  }
0x3c: {  	p2 =	seq.s32 s10, $0x1;
	s10 =	sld [smem:$0x3FBB]  }
0x3d: {  	_ =	shalt  }
0x3e: {  	_ =	shalt  }
0x3f: {  	_ =	shalt  }
0x40: {  	_ =	shalt  }
0x41: {  	_ =	shalt  }
0x42: {  	_ =	shalt  }
0x43: {  	_ =	shalt  }
0x44: {  	_ =	shalt  }
0x45: {  	_ =	shalt  }
0x46: {  	_ =	shalt  }
0x47: {  	_ =	shalt  }
0x48: {  	_ =	shalt  }
0x49: {  	_ =	shalt  }
0x4a: {  	_ =	shalt  }
0x4b: {  	_ =	shalt  }
0x4c: {  	_ =	shalt  }
0x4d: {  	_ =	shalt  }
0x4e: {  	_ =	shalt  }
0x4f: {  	_ =	shalt  }
0x50: {  	_ =	shalt  }
0x51: {  	_ =	shalt  }
0x52: {  	_ =	shalt  }
0x53: {  	_ =	shalt  }
0x54: {  	_ =	shalt  }
0x55: {  	_ =	shalt  }
0x56: {  	_ =	shalt  }
0x57: {  	_ =	shalt  }
0x58: {  	_ =	shalt  }
0x59: {  	_ =	shalt  }
0x5a: {  	_ =	shalt  }
0x5b: {  	_ =	shalt  }
0x5c: {  	_ =	shalt  }
0x5d: {  	_ =	shalt  }
0x5e: {  	_ =	shalt  }
0x5f: {  	_ =	shalt  }
0x60: {  	_ =	shalt  }
0x61: {  	_ =	shalt  }
0x62: {  	_ =	shalt  }
0x63: {  	_ =	shalt  }
0x64: {  	_ =	shalt  }
0x65: {  	_ =	shalt  }
0x66: {  	_ =	shalt  }
0x67: {  	_ =	shalt  }
0x68: {  	_ =	shalt  }
0x69: {  	_ =	shalt  }
0x6a: {  	_ =	shalt  }
0x6b: {  	_ =	shalt  }
0x6c: {  	_ =	shalt  }
0x6d: {  	_ =	shalt  }
0x6e: {  	_ =	shalt  }
0x6f: {  	_ =	shalt  }
0x70: {  	_ =	shalt  }
0x71: {  	_ =	shalt  }
0x72: {  	_ =	shalt  }
0x73: {  	_ =	shalt  }
0x74: {  	_ =	shalt  }
0x75: {  	_ =	shalt  }
0x76: {  	_ =	shalt  }
0x77: {  	_ =	shalt  }
0x78: {  	_ =	shalt  }
0x79: {  	_ =	shalt  }
0x7a: {  	_ =	shalt  }
0x7b: {  	_ =	shalt  }
0x7c: {  	_ =	shalt  }
0x7d: {  	_ =	shalt  }
0x7e: {  	_ =	shalt  }
0x7f: {  	_ =	shalt  }
0x80: {  	_ =	shalt  }
0x81: {  	_ =	shalt  }
0x82: {  	_ =	shalt  }
0x83: {  	_ =	shalt  }
0x84: {  	_ =	shalt  }
0x85: {  	_ =	shalt  }
0x86: {  	_ =	shalt  }
0x87: {  	_ =	shalt  }
.Lfunc_end0:
.L_simem_size_0:
called_computation_lowered:
.L_overlay_start_0:
0x88: {  	s2 =	sld [smem:$0x3FD9]  }
0x89: {  	s3 =	sld [smem:$0x3FFE];
	_ =	sdelay $0x1  }
0x8a: {  	s1 =	srdreg.scid  }
0x8b: {  	s0 =	sand.u32 $0x1, s1  }
0x8c: {  	s17 =	sshll.u32 s0, $0xA;
	s2 =	sadd.s32 s3, s2  }
0x8d: {  	s2 =	sadd.s32 s2, s17  }
0x8e: {  	[smem:$0x3FC7] =	sst s2  }
0x8f: {  	_ = 	snop  }
0x90: {  	s2 =	sld [smem:$0x3FD0];
	(tm) =	ssettm $0x1  }
0x91: {  	s18 =	sld [smem:$0x3FFB];
	_ =	sdelay $0x3  }
0x92: {  	_ =	strace s18  }
0x93: {  	s3 =	sld [smem:$0x3FFC];
	_ =	sdelay $0x3  }
0x94: {  	_ =	strace s3  }
0x95: {  	s3 =	sld [smem:$0x3FFD];
	_ =	sdelay $0x3  }
0x96: {  	_ =	strace s3  }
0x97: {  	_ =	strace $0x8FFFFFFF  }
0x98: {  	s19 =	sld [smem:$0x3FDB];
	_ =	sdelay $0x1  }
0x99: {  	s4 =	simm.s32 $_scs_section_size  }
0x9a: {  	s5 =	simm.s32 $_size__tile_overlayer_lowered;
	s6 =	simm.s32 $_tile_overlayer_lowered  }
0x9b: {  	s22 =	simm.s32 $0x1BFF;
	s21 =	sshll.u32 s6, $0x1;
	s3 =	sadd.s32 s4, s19  }
0x9c: {  	s7 =	simm.s32 $0x0;
	s20 =	sshll.u32 s5, $0x1;
	s5 =	sadd.s32 s21, s3  }
0x9d: {  	[timem:s7], [sflag:s22] =	dma.local [hbm:s5], s20  }
0x9e: {  	_ =	swait.ge [sflag:s22], s20  }
0x9f: {  	s4 =	ssub.s32 $0x0, s20;
	[sflag:s22] =	ssyncset.done $0x0  }
0xa0: {  	[sflag:s22] =	ssyncadd.s32 s4;
	_ =	sdelay $0x1  }
0xa1: {  	s23 =	simm.s32 $0x1B8B  }
0xa2: {  	_ =	swait.ge [sflag:s23], $0x1  }
0xa3: {  	[sflag:s23] =	ssyncset.done $0x0  }
0xa4: {  	s25 =	simm.s32 $0x1B8E;
	s24 =	sld [smem:$0x3FFE];
	[sflag:s23] =	ssyncadd.s32 $0xFFFFFFFF  }
0xa5: {  	s26 =	simm.s32 $execute0_lowered;
	[smem:$0x3FD2] =	sst s25  }
0xa6: {  	s5 =	sshll.u32 s26, $0x1;
	_ =	strace $0x80000046;
	[dreg:$0x1] =	wrdreg $0xFFFFFFFF  }
0xa7: {  	s28 =	simm.s32 $_size_execute0_lowered;
	s3 =	sadd.s32 s3, s5;
	[dreg:$0x0] =	wrdreg $0x0  }
0xa8: {  	s5 =	sshll.u32 s28, $0x1;
	[dreg:$0x2] =	wrdreg s3  }
0xa9: {  	[dreg:$0x3] =	wrdreg s5  }
0xaa: {  	[dreg:$0x4] =	wrdreg $0xC0  }
0xab: {  	_ =	task [dreg:s7], $0x5FFFF  }
0xac: {  	[dreg:$0x1] =	wrdreg $0xFFFFFFFF  }
0xad: {  	[dreg:$0x0] =	wrdreg $0x60  }
0xae: {  	[dreg:$0x2] =	wrdreg s2  }
0xaf: {  	[dreg:$0x3] =	wrdreg s24  }
0xb0: {  	[dreg:$0x4] =	wrdreg $0x9  }
0xb1: {  	_ =	task.clear_ibuf [dreg:s7], $0x5FFFF;
	_ =	strace $0x90000046  }
0xb2: {  	s29 =	simm.s32 $0x9;
	_ =	strace $0x80000048  }
0xb3: {  	_ =	swait.ge [sflag:s29], $0x1  }
0xb4: {  	[sflag:s29] =	ssyncadd.s32 $0xFFFFFFFF  }
0xb5: {  	_ =	strace $0x90000048  }
0xb6: {  	_ =	sfence  }
0xb7: {  	s30 =	sld [smem:$0x0];
	_ =	sdelay $0x2  }
0xb8: {  	s31 =	sshll.u32 s1, $0xD;
	s1 =	sshrl.u32 s1, $0x2  }
0xb9: {  	s3 =	sand.u32 $0x4000, s31;
	s1 =	sadd.s32 s1, s30  }
0xba: {  	s0 =	sor.u32 s3, s0;
	s1 =	sshll.u32 s1, $0x11  }
0xbb: {  	s0 =	sor.u32 s1, s0  }
0xbc: {  	s0 =	sadd.s32 $0x8F2B, s0  }
0xbd: {  	[sflag:s0] =	ssyncadd.remote.s32 $0x1  }
0xbe: {  	_ =	sfence.sel $0xFFFF  }
0xbf: {  	[dreg:$0x0] =	wrdreg $0xFFFFFFFF;
	(pc) =	sbr.abs _section_cstart, $3  }
0xc0: {  	[dreg:$0x1] =	wrdreg $0xFFFFFFFF  }
0xc1: {  	_ =	task.clear_ibuf [dreg:s7], $0x2FFFF;
	_ =	strace $0x9FFFFFFF  }
0xc2: {  	(tm) =	ssettm $0x7FFFFFFF  }
0xc3: {  	_ =	shalt  }
tec
execute0_lowered:
.L_overlay_start_1:
0x0: {  	(tag) =	ssettag $0x1  }
0x1: {  	s3 =	rddreg [dreg:$0x0];
	s1 =	srdreg.scid  }
0x2: {  	s0 =	stileid.u32;
	s4 =	rddreg [dreg:$0x1]  }
0x3: {  	s8 =	simm.s32 $0x0;
	s5 =	sand.u32 $0x1, s1;
	s2 =	sshll.u32 s0, $0x1  }
0x4: {  	s6 =	sor.u32 s5, s2;
	s2 =	simm.s32 $0x0;
	s5 =	ssub.s32 $0x2, s5  }
0x5: {  	v0 =	vlaneseq.u32;
	s6 =	smul.u32 $0x320, s6;
	[smem:$0x7FF] =	sst s2;
	s7 =	sshrl.u32 s5, $0x1  }
0x6: {  	s1 =	rddreg [dreg:$0x2];
	v1 =	vmul.u32 $0xC8, v0;
	_ =	strace $0x80000047;
	s5 =	ssub.s32 s5, s7  }
0x7: {  	s7 =	simm.s32 $0x1980;
	s4 =	sadd.s32 s6, s4;
	s3 =	sadd.s32 s3, s6  }
0x8: {  	v0 =	vadd.s32 $0xC7, v1;
	v1 =	vadd.s32 $0xD47, v1;
	s5 =	smax.u32 s5, $0x1;
	s6 =	simm.s32 $0x1;
	s4 =	sadd.s32 $0x600, s4  }
.LBB2_1:
0x9: {  	[tilespmem:s2], [sflag:$0x1] =	stream.linear.gather [hbm4b:s3+s2], $0x1900, $0x38;
	[tilespmem:$0x3280] =	vst v63  }
0xa: {  	_ =	swait.ge [sflag:s6], $0x1900  }
0xb: {  	[sflag:s6] =	ssyncset.done $0x0  }
0xc: {  	s9 =	simm.s32 $0x0;
	[sflag:s6] =	ssyncadd.s32 $0xFFFFE700  }
0xd: {  	s10 =	simm.s32 $0x40;
	v2 =	vld [tilespmem:s9+$0x1]  }
.LBB2_2:
0xe: {  	p0 =	sne.s32 s10, $0x63C0  }
.Ltmp0:
0xf: {  	_ = 	snop;
	(pc) =	sbr.rel @p0 .LBB2_2-.Ltmp0, $3  }
0x10: {  	_ =	sdelay $0x1  }
0x11: {  	[tilespmem:s9+$0x1980] =	vst v2;
	s9 =	sshra.s32 s10, $0x2;
	s10 =	sadd.s32 $0x40, s10  }
0x12: {  	v2 =	vld [tilespmem:s9+$0x1]  }
0x13: {  	_ =	sdelay $0x3  }
0x14: {  	[tilespmem:s9+$0x1980] =	vst v2  }
0x15: {  	v2 =	vld.idx.msk [tilespmem:v0+s2+$0x0], $0xffff;
	_ =	sdelay $0x4  }
0x16: {  	v2 =	vadd.s32 $0x1, v2  }
0x17: {  	vm0 =	vgt.s32 v2, $0xFF  }
0x18: {  	v2 =	vsel vm0, $0x0, v2  }
0x19: {  	[tilespmem:v0+s7+$0x0] =	vst.idx.msk $0xffff, v2  }
0x1a: {  	v2 =	vld.idx.msk [tilespmem:v1+s2+$0x0], $0xffff;
	_ =	sdelay $0x4  }
0x1b: {  	v2 =	vadd.s32 $0x1, v2  }
0x1c: {  	s8 =	sadd.s32 $0x1, s8;
	vm15 =	vgt.s32 v2, $0xFF  }
0x1d: {  	p0 =	sne.s32 s8, s5;
	v2 =	vsel vm15, $0x0, v2  }
.Ltmp1:
0x1e: {  	[tilespmem:v1+s7+$0x0] =	vst.idx.msk $0xffff, v2;
	(pc) =	sbr.rel @p0 .LBB2_1-.Ltmp1, $4  }
0x1f: {  	[hbm4b:s4+s2] =	stream.linear.scatter [tilespmem:s7], [sflag:$0x1], $0x1900, $0x38;
	[tilespmem:$0x3280] =	vst v63  }
0x20: {  	_ =	swait.ge [sflag:s6], $0x1900  }
0x21: {  	[sflag:s6] =	ssyncset.done $0x0  }
0x22: {  	[sflag:s6] =	ssyncadd.s32 $0xFFFFE700  }
0x23: {  	_ =	sfence.sel $0x180000  }
0x24: {  	[bflag:$0x0] =	sbarrier.arrive $0xFFFF  }
0x25: {  	p0 =	sne.s32 s0, $0x0;
	_ =	strace $0x90000047  }
0x26: {  	s0 =	sadd.s32 @!p0 $0x100000, s1;
	[bflag:$0x2] =	sbarrier.arrive $0xFFFF  }
0x27: {  	[sflag:s0] =	ssyncadd.tile.s32 @!p0 $0x1;
	_ =	shalt  }
.Lfunc_end2:
_tile_overlayer_lowered:
.L_overlay_start_2:
0x28: {  	(tag) =	ssettag $0x2  }
0x29: {  	s0 =	rddreg [dreg:$0x0];
	s2 =	stileid.u32  }
0x2a: {  	s1 =	rddreg [dreg:$0x1];
	p0 =	sne.s32 s2, $0x0  }
0x2b: {  	s3 =	rddreg [dreg:$0x2];
	[bflag:$0x3] =	sbarrier.arrive $0xFFFF;
	s2 =	simm.s32 @!p0 $0x1C01  }
0x2c: {  	[timem:s3], [sflag:s2] =	dma.local @!p0 [hbm:s0], s1  }
0x2d: {  	s0 =	simm.s32 @!p0 $0x1  }
0x2e: {  	_ =	swait.ge @!p0 [sflag:s0], s1  }
0x2f: {  	s1 =	ssub.s32 @!p0 $0x0, s1;
	[sflag:s0] =	ssyncset.done @!p0 $0x0  }
0x30: {  	[sflag:s0] =	ssyncadd.s32 @!p0 s1  }
0x31: {  	[bflag:$0x3] =	sbarrier.arrive $0xFFFF  }
0x32: {  	_ =	shalt  }

</sc_bundles>
